<compile_context>
chip_gen: v7x
topology: tpu7x:2x2x1
jax: 0.10.2.dev20260603
libtpu: 0.0.44.dev20260713+nightly
codegen_flags: <defaults>
</compile_context>

<pallas_src>
import functools

import jax
import jax.numpy as jnp
from jax import lax
from jax.experimental import pallas as pl
from jax.experimental.pallas import tpu as pltpu
from jax.experimental.pallas import tpu_sc as plsc

EMBED_DIM = 128
NC, NS = 2, 16
NW = NC * NS
CHUNK = 128
GROUP = 2
BANK = GROUP * CHUNK


def _concat_body(tok_ref, cul_ref, out_ref):
    out_ref[...] = jnp.concatenate(
        [tok_ref[...].T, cul_ref[...].T], axis=1)


@functools.cache
def _make_concat(v: int, d_tok: int, d_cul: int):
    cols = 2048
    grid = (v + cols - 1) // cols
    return pl.pallas_call(
        _concat_body,
        grid=(grid,),
        in_specs=[
            pl.BlockSpec((d_tok, cols), lambda i: (0, i)),
            pl.BlockSpec((d_cul, cols), lambda i: (0, i)),
        ],
        out_specs=pl.BlockSpec((cols, d_tok + d_cul), lambda i: (i, 0)),
        out_shape=jax.ShapeDtypeStruct((v, d_tok + d_cul), jnp.float32),
    )


@functools.cache
def _make_gather(n_tokens: int):
    per_w = n_tokens // NW
    n_bank = per_w // BANK
    n_round = (n_bank - 1) // 3
    mesh = plsc.VectorSubcoreMesh(
        core_axis_name="c", subcore_axis_name="s",
        num_cores=NC, num_subcores=NS)

    @functools.partial(
        pl.kernel,
        out_type=jax.ShapeDtypeStruct((n_tokens, EMBED_DIM), jnp.float32),
        mesh=mesh,
        scratch_types=[
            pltpu.VMEM((per_w,), jnp.int32),
            pltpu.VMEM((BANK, EMBED_DIM), jnp.float32),
            pltpu.VMEM((BANK, EMBED_DIM), jnp.float32),
            pltpu.VMEM((BANK, EMBED_DIM), jnp.float32),
            pltpu.SemaphoreType.DMA,
            pltpu.SemaphoreType.DMA,
            pltpu.SemaphoreType.DMA,
            pltpu.SemaphoreType.DMA,
            pltpu.SemaphoreType.DMA,
            pltpu.SemaphoreType.DMA,
        ],
    )
    def k(ids_hbm, cat_hbm, out_hbm, idx_v,
          buf0, buf1, buf2, g0, g1, g2, w0, w1, w2):
        wid = lax.axis_index("s") * NC + lax.axis_index("c")
        base = wid * per_w
        pltpu.sync_copy(ids_hbm.at[pl.ds(base, per_w)], idx_v)

        def gather(bank, buf, sem):
            for c in range(GROUP):
                pltpu.async_copy(
                    cat_hbm.at[idx_v.at[pl.ds(bank * BANK + c * CHUNK, CHUNK)]],
                    buf.at[pl.ds(c * CHUNK, CHUNK)], sem)

        def write(bank, buf, sem):
            pltpu.async_copy(
                buf, out_hbm.at[pl.ds(base + bank * BANK, BANK)], sem)

        def gwait(buf, sem):
            for c in range(GROUP):
                pltpu.make_async_copy(
                    cat_hbm.at[idx_v.at[pl.ds(0, CHUNK)]],
                    buf.at[pl.ds(c * CHUNK, CHUNK)], sem).wait()

        def wwait(buf, sem):
            pltpu.make_async_copy(
                buf, out_hbm.at[pl.ds(base, BANK)], sem).wait()

        gather(0, buf0, g0)
        gather(1, buf1, g1)

        @pl.loop(0, n_round)
        def _(i):
            t0 = 3 * i
            gwait(buf0, g0)

            @pl.when(i > 0)
            def _():
                wwait(buf2, w2)
            gather(t0 + 2, buf2, g2)
            write(t0, buf0, w0)
            gwait(buf1, g1)
            write(t0 + 1, buf1, w1)
            wwait(buf0, w0)
            gather(t0 + 3, buf0, g0)
            gwait(buf2, g2)
            write(t0 + 2, buf2, w2)
            wwait(buf1, w1)

            @pl.when(t0 + 4 < n_bank)
            def _():
                gather(t0 + 4, buf1, g1)

        gwait(buf0, g0)
        wwait(buf2, w2)
        write(n_bank - 1, buf0, w0)
        wwait(buf0, w0)

    return k


def kernel(input_ids, token_weight, cultural_weight):
    b, s = input_ids.shape
    n = b * s
    v, d_tok = token_weight.shape
    d_cul = cultural_weight.shape[1]
    ids_flat = input_ids.T.astype(jnp.int32).reshape(n)
    cat = _make_concat(v, d_tok, d_cul)(token_weight.T, cultural_weight.T)
    out = _make_gather(n)(ids_flat, cat)
    return out.reshape(s, b, EMBED_DIM).transpose(1, 0, 2)

# --- scband reference (transcript-rebuilt; emitter-appended) ---
"""Pipeline reference for scband-cultural-embedding-34316788695476 (READ-ONLY COPY).

The authoritative reference and input builder live on the scoring server;
editing this copy changes nothing except your own understanding.
"""

import jax, jax.numpy as jnp
import numpy as np

VOCAB = 100000
EMBED_DIM = 128
CULT_DIM = 64
TOK_DIM = EMBED_DIM - CULT_DIM
PAD_IDX = 0
B, S = 4096, 50

def setup_inputs(seed: int = 0) -> dict:
    key = jax.random.key(seed)
    k1, k2, k3 = jax.random.split(key, 3)
    input_ids = jax.random.randint(k1, (B, S), 0, VOCAB, dtype=jnp.int64 if jax.config.jax_enable_x64 else jnp.int32)
    token_weight = jax.random.normal(k2, (VOCAB, TOK_DIM), dtype=jnp.float32) * 0.02
    cultural_weight = jax.random.normal(k3, (VOCAB, CULT_DIM), dtype=jnp.float32) * 0.02
    # padding_idx row zeroed, as in _reset_parameters
    token_weight = token_weight.at[PAD_IDX].set(0.0)
    cultural_weight = cultural_weight.at[PAD_IDX].set(0.0)
    return {"input_ids": input_ids, "token_weight": token_weight, "cultural_weight": cultural_weight}

def reference(input_ids, token_weight, cultural_weight):
    # cultural_markers is None -> plain dual embedding lookup + concat
    token_embeds = jnp.take(token_weight, input_ids, axis=0)      # [B, S, TOK_DIM]
    cultural_embeds = jnp.take(cultural_weight, input_ids, axis=0)  # [B, S, CULT_DIM]
    return jnp.concatenate([token_embeds, cultural_embeds], axis=-1)  # [B, S, EMBED_DIM]

if __name__ == "__main__":
    import jax
    _d = setup_inputs()
    print(jax.jit(kernel)(*tuple(_d.values())))

</pallas_src>

<mosaic_0001>
#map = affine_map<(d0, d1) -> (0)>
#map1 = affine_map<(d0, d1) -> (0, 0)>
module attributes {stable_mosaic.version = 14 : i64} {
  func.func @k(%arg0: i32, %arg1: i32, %arg2: memref<204800xi32, #tpu.memory_space<hbm>>, %arg3: memref<100000x128xf32, #tpu.memory_space<hbm>>, %arg4: memref<204800x128xf32, #tpu.memory_space<hbm>>, %arg5: memref<6400xi32, #tpu.memory_space<vmem>>, %arg6: memref<256x128xf32, #tpu.memory_space<vmem>>, %arg7: memref<256x128xf32, #tpu.memory_space<vmem>>, %arg8: memref<256x128xf32, #tpu.memory_space<vmem>>, %arg9: memref<!tpu.dma_semaphore, #tpu.memory_space<semaphore_mem>>, %arg10: memref<!tpu.dma_semaphore, #tpu.memory_space<semaphore_mem>>, %arg11: memref<!tpu.dma_semaphore, #tpu.memory_space<semaphore_mem>>, %arg12: memref<!tpu.dma_semaphore, #tpu.memory_space<semaphore_mem>>, %arg13: memref<!tpu.dma_semaphore, #tpu.memory_space<semaphore_mem>>, %arg14: memref<!tpu.dma_semaphore, #tpu.memory_space<semaphore_mem>>) attributes {dimension_semantics = [#tpu.dimension_semantics<core_parallel>, #tpu.dimension_semantics<subcore_parallel>], iteration_bounds = array<i64: 2, 16>, scalar_prefetch = 0 : i64, scratch_operands = 10 : i64, tpu.core_type = #tpu.core_type<sc_vector_subcore>, window_params = [{transform_indices = #map}, {transform_indices = #map1}, {transform_indices = #map1}]} {
    %mul3A = arith.constant 2 : i32
    %mul3A_0 = arith.muli %arg1, %mul3A : i32
    %add3A = arith.addi %mul3A_0, %arg0 : i32
    %mul3A_1 = arith.constant 6400 : i32
    %mul3A_2 = arith.muli %add3A, %mul3A_1 : i32
    "tpu.region"() ({
      %run_scoped3A = tpu.sem_alloc : memref<!tpu.dma_semaphore, #tpu.memory_space<semaphore_mem>>
      %dma_start3A_67 = tpu.memref_slice %arg2[%mul3A_2] : memref<204800xi32, #tpu.memory_space<hbm>> -> memref<6400xi32, #tpu.memory_space<hbm>>
      %dma_start3A_68 = tpu.memref_slice %arg2[%mul3A_2] : memref<204800xi32, #tpu.memory_space<hbm>> -> memref<6400xi32, #tpu.memory_space<hbm>>
      tpu.enqueue_dma source(%dma_start3A_68 : memref<6400xi32, #tpu.memory_space<hbm>>) target(%arg5 : memref<6400xi32, #tpu.memory_space<vmem>>) target_semaphore(%run_scoped3A : memref<!tpu.dma_semaphore, #tpu.memory_space<semaphore_mem>>)
      %dma_wait3A_69 = tpu.memref_slice %arg2[%mul3A_2] : memref<204800xi32, #tpu.memory_space<hbm>> -> memref<6400xi32, #tpu.memory_space<hbm>>
      %dma_wait3A_70 = tpu.memref_slice %arg2[%mul3A_2] : memref<204800xi32, #tpu.memory_space<hbm>> -> memref<6400xi32, #tpu.memory_space<hbm>>
      tpu.wait_dma2 semaphore(%run_scoped3A : memref<!tpu.dma_semaphore, #tpu.memory_space<semaphore_mem>>) src(%dma_wait3A_70 : memref<6400xi32, #tpu.memory_space<hbm>>) dst(%arg5 : memref<6400xi32, #tpu.memory_space<vmem>>)
      tpu.yield
    }) : () -> ()
    %dma_start3A = arith.constant 0 : i32
    %dma_start3A_3 = arith.constant 0 : i32
    %dma_start3A_4 = tpu.memref_slice %arg6[%dma_start3A, %dma_start3A_3] : memref<256x128xf32, #tpu.memory_space<vmem>> -> memref<128x128xf32, #tpu.memory_space<vmem>>
    %dma_start3A_5 = arith.constant 0 : i32
    %dma_start3A_6 = tpu.memref_slice %arg5[%dma_start3A_5] : memref<6400xi32, #tpu.memory_space<vmem>> -> memref<128xi32, #tpu.memory_space<vmem>>
    %dma_start3A_7 = arith.constant 0 : i32
    %dma_start3A_8 = arith.constant 0 : i32
    %dma_start3A_9 = tpu.memref_slice %arg3[%dma_start3A_7, %dma_start3A_8] : memref<100000x128xf32, #tpu.memory_space<hbm>> -> memref<100000x128xf32, #tpu.memory_space<hbm>>
    tpu.enqueue_indirect_dma source(%dma_start3A_9 : memref<100000x128xf32, #tpu.memory_space<hbm>>) target(%dma_start3A_4 : memref<128x128xf32, #tpu.memory_space<vmem>>) offsets(%dma_start3A_6 : memref<128xi32, #tpu.memory_space<vmem>>) semaphore(%arg9 : memref<!tpu.dma_semaphore, #tpu.memory_space<semaphore_mem>>)
    %dma_start3A_10 = arith.constant 128 : i32
    %dma_start3A_11 = arith.constant 0 : i32
    %dma_start3A_12 = tpu.memref_slice %arg6[%dma_start3A_10, %dma_start3A_11] : memref<256x128xf32, #tpu.memory_space<vmem>> -> memref<128x128xf32, #tpu.memory_space<vmem>>
    %dma_start3A_13 = arith.constant 128 : i32
    %dma_start3A_14 = tpu.memref_slice %arg5[%dma_start3A_13] : memref<6400xi32, #tpu.memory_space<vmem>> -> memref<128xi32, #tpu.memory_space<vmem>>
    %dma_start3A_15 = arith.constant 0 : i32
    %dma_start3A_16 = arith.constant 0 : i32
    %dma_start3A_17 = tpu.memref_slice %arg3[%dma_start3A_15, %dma_start3A_16] : memref<100000x128xf32, #tpu.memory_space<hbm>> -> memref<100000x128xf32, #tpu.memory_space<hbm>>
    tpu.enqueue_indirect_dma source(%dma_start3A_17 : memref<100000x128xf32, #tpu.memory_space<hbm>>) target(%dma_start3A_12 : memref<128x128xf32, #tpu.memory_space<vmem>>) offsets(%dma_start3A_14 : memref<128xi32, #tpu.memory_space<vmem>>) semaphore(%arg9 : memref<!tpu.dma_semaphore, #tpu.memory_space<semaphore_mem>>)
    %dma_start3A_18 = arith.constant 0 : i32
    %dma_start3A_19 = arith.constant 0 : i32
    %dma_start3A_20 = tpu.memref_slice %arg7[%dma_start3A_18, %dma_start3A_19] : memref<256x128xf32, #tpu.memory_space<vmem>> -> memref<128x128xf32, #tpu.memory_space<vmem>>
    %dma_start3A_21 = arith.constant 256 : i32
    %dma_start3A_22 = tpu.memref_slice %arg5[%dma_start3A_21] : memref<6400xi32, #tpu.memory_space<vmem>> -> memref<128xi32, #tpu.memory_space<vmem>>
    %dma_start3A_23 = arith.constant 0 : i32
    %dma_start3A_24 = arith.constant 0 : i32
    %dma_start3A_25 = tpu.memref_slice %arg3[%dma_start3A_23, %dma_start3A_24] : memref<100000x128xf32, #tpu.memory_space<hbm>> -> memref<100000x128xf32, #tpu.memory_space<hbm>>
    tpu.enqueue_indirect_dma source(%dma_start3A_25 : memref<100000x128xf32, #tpu.memory_space<hbm>>) target(%dma_start3A_20 : memref<128x128xf32, #tpu.memory_space<vmem>>) offsets(%dma_start3A_22 : memref<128xi32, #tpu.memory_space<vmem>>) semaphore(%arg10 : memref<!tpu.dma_semaphore, #tpu.memory_space<semaphore_mem>>)
    %dma_start3A_26 = arith.constant 128 : i32
    %dma_start3A_27 = arith.constant 0 : i32
    %dma_start3A_28 = tpu.memref_slice %arg7[%dma_start3A_26, %dma_start3A_27] : memref<256x128xf32, #tpu.memory_space<vmem>> -> memref<128x128xf32, #tpu.memory_space<vmem>>
    %dma_start3A_29 = arith.constant 384 : i32
    %dma_start3A_30 = tpu.memref_slice %arg5[%dma_start3A_29] : memref<6400xi32, #tpu.memory_space<vmem>> -> memref<128xi32, #tpu.memory_space<vmem>>
    %dma_start3A_31 = arith.constant 0 : i32
    %dma_start3A_32 = arith.constant 0 : i32
    %dma_start3A_33 = tpu.memref_slice %arg3[%dma_start3A_31, %dma_start3A_32] : memref<100000x128xf32, #tpu.memory_space<hbm>> -> memref<100000x128xf32, #tpu.memory_space<hbm>>
    tpu.enqueue_indirect_dma source(%dma_start3A_33 : memref<100000x128xf32, #tpu.memory_space<hbm>>) target(%dma_start3A_28 : memref<128x128xf32, #tpu.memory_space<vmem>>) offsets(%dma_start3A_30 : memref<128xi32, #tpu.memory_space<vmem>>) semaphore(%arg10 : memref<!tpu.dma_semaphore, #tpu.memory_space<semaphore_mem>>)
    %scan3A = arith.constant 0 : i32
    %scan3A_34 = arith.constant 8 : i32
    %scan3A_35 = arith.addi %scan3A, %scan3A_34 : i32
    %scan3A_36 = arith.constant 1 : i32
    scf.for %scan3A_67 = %scan3A to %scan3A_35 step %scan3A_36  : i32 {
      %mul3A_68 = arith.constant 1 : i32
      %mul3A_69 = arith.muli %scan3A_67, %mul3A_68 : i32
      %add3A_70 = arith.constant 0 : i32
      %add3A_71 = arith.addi %add3A_70, %mul3A_69 : i32
      %mul3A_72 = arith.constant 3 : i32
      %mul3A_73 = arith.muli %mul3A_72, %add3A_71 : i32
      %dma_wait3A_74 = arith.constant 0 : i32
      %dma_wait3A_75 = arith.constant 0 : i32
      %dma_wait3A_76 = tpu.memref_slice %arg6[%dma_wait3A_74, %dma_wait3A_75] : memref<256x128xf32, #tpu.memory_space<vmem>> -> memref<128x128xf32, #tpu.memory_space<vmem>>
      %dma_wait3A_77 = arith.constant 0 : i32
      %dma_wait3A_78 = tpu.memref_slice %arg5[%dma_wait3A_77] : memref<6400xi32, #tpu.memory_space<vmem>> -> memref<128xi32, #tpu.memory_space<vmem>>
      %dma_wait3A_79 = arith.constant 0 : i32
      %dma_wait3A_80 = arith.constant 0 : i32
      %dma_wait3A_81 = tpu.memref_slice %arg3[%dma_wait3A_79, %dma_wait3A_80] : memref<100000x128xf32, #tpu.memory_space<hbm>> -> memref<100000x128xf32, #tpu.memory_space<hbm>>
      tpu.wait_indirect_dma semaphore(%arg9 : memref<!tpu.dma_semaphore, #tpu.memory_space<semaphore_mem>>) src(%dma_wait3A_81 : memref<100000x128xf32, #tpu.memory_space<hbm>>) dst(%dma_wait3A_76 : memref<128x128xf32, #tpu.memory_space<vmem>>)
      %dma_wait3A_82 = arith.constant 128 : i32
      %dma_wait3A_83 = arith.constant 0 : i32
      %dma_wait3A_84 = tpu.memref_slice %arg6[%dma_wait3A_82, %dma_wait3A_83] : memref<256x128xf32, #tpu.memory_space<vmem>> -> memref<128x128xf32, #tpu.memory_space<vmem>>
      %dma_wait3A_85 = arith.constant 0 : i32
      %dma_wait3A_86 = tpu.memref_slice %arg5[%dma_wait3A_85] : memref<6400xi32, #tpu.memory_space<vmem>> -> memref<128xi32, #tpu.memory_space<vmem>>
      %dma_wait3A_87 = arith.constant 0 : i32
      %dma_wait3A_88 = arith.constant 0 : i32
      %dma_wait3A_89 = tpu.memref_slice %arg3[%dma_wait3A_87, %dma_wait3A_88] : memref<100000x128xf32, #tpu.memory_space<hbm>> -> memref<100000x128xf32, #tpu.memory_space<hbm>>
      tpu.wait_indirect_dma semaphore(%arg9 : memref<!tpu.dma_semaphore, #tpu.memory_space<semaphore_mem>>) src(%dma_wait3A_89 : memref<100000x128xf32, #tpu.memory_space<hbm>>) dst(%dma_wait3A_84 : memref<128x128xf32, #tpu.memory_space<vmem>>)
      %gt3A = arith.constant 0 : i32
      %gt3A_90 = arith.cmpi sgt, %add3A_71, %gt3A : i32
      %convert_element_type3A = arith.extui %gt3A_90 : i1 to i32
      %cond3A = arith.constant 0 : i32
      %cond3A_91 = arith.cmpi ne, %convert_element_type3A, %cond3A : i32
      scf.if %cond3A_91 {
        %dma_wait3A_211 = arith.constant 0 : i32
        %dma_wait3A_212 = tpu.memref_slice %arg4[%mul3A_2, %dma_wait3A_211] : memref<204800x128xf32, #tpu.memory_space<hbm>> -> memref<256x128xf32, #tpu.memory_space<hbm>>
        %dma_wait3A_213 = arith.constant 0 : i32
        %dma_wait3A_214 = tpu.memref_slice %arg4[%mul3A_2, %dma_wait3A_213] : memref<204800x128xf32, #tpu.memory_space<hbm>> -> memref<256x128xf32, #tpu.memory_space<hbm>>
        tpu.wait_dma2 semaphore(%arg14 : memref<!tpu.dma_semaphore, #tpu.memory_space<semaphore_mem>>) src(%arg8 : memref<256x128xf32, #tpu.memory_space<vmem>>) dst(%dma_wait3A_214 : memref<256x128xf32, #tpu.memory_space<hbm>>)
      } else {
      }
      %add3A_92 = arith.constant 2 : i32
      %add3A_93 = arith.addi %mul3A_73, %add3A_92 : i32
      %mul3A_94 = arith.constant 256 : i32
      %mul3A_95 = arith.muli %add3A_93, %mul3A_94 : i32
      %add3A_96 = arith.constant 0 : i32
      %add3A_97 = arith.addi %mul3A_95, %add3A_96 : i32
      %dma_start3A_98 = arith.constant 0 : i32
      %dma_start3A_99 = arith.constant 0 : i32
      %dma_start3A_100 = tpu.memref_slice %arg8[%dma_start3A_98, %dma_start3A_99] : memref<256x128xf32, #tpu.memory_space<vmem>> -> memref<128x128xf32, #tpu.memory_space<vmem>>
      %dma_start3A_101 = tpu.memref_slice %arg5[%add3A_97] : memref<6400xi32, #tpu.memory_space<vmem>> -> memref<128xi32, #tpu.memory_space<vmem>>
      %dma_start3A_102 = arith.constant 0 : i32
      %dma_start3A_103 = arith.constant 0 : i32
      %dma_start3A_104 = tpu.memref_slice %arg3[%dma_start3A_102, %dma_start3A_103] : memref<100000x128xf32, #tpu.memory_space<hbm>> -> memref<100000x128xf32, #tpu.memory_space<hbm>>
      tpu.enqueue_indirect_dma source(%dma_start3A_104 : memref<100000x128xf32, #tpu.memory_space<hbm>>) target(%dma_start3A_100 : memref<128x128xf32, #tpu.memory_space<vmem>>) offsets(%dma_start3A_101 : memref<128xi32, #tpu.memory_space<vmem>>) semaphore(%arg11 : memref<!tpu.dma_semaphore, #tpu.memory_space<semaphore_mem>>)
      %mul3A_105 = arith.constant 256 : i32
      %mul3A_106 = arith.muli %add3A_93, %mul3A_105 : i32
      %add3A_107 = arith.constant 128 : i32
      %add3A_108 = arith.addi %mul3A_106, %add3A_107 : i32
      %dma_start3A_109 = arith.constant 128 : i32
      %dma_start3A_110 = arith.constant 0 : i32
      %dma_start3A_111 = tpu.memref_slice %arg8[%dma_start3A_109, %dma_start3A_110] : memref<256x128xf32, #tpu.memory_space<vmem>> -> memref<128x128xf32, #tpu.memory_space<vmem>>
      %dma_start3A_112 = tpu.memref_slice %arg5[%add3A_108] : memref<6400xi32, #tpu.memory_space<vmem>> -> memref<128xi32, #tpu.memory_space<vmem>>
      %dma_start3A_113 = arith.constant 0 : i32
      %dma_start3A_114 = arith.constant 0 : i32
      %dma_start3A_115 = tpu.memref_slice %arg3[%dma_start3A_113, %dma_start3A_114] : memref<100000x128xf32, #tpu.memory_space<hbm>> -> memref<100000x128xf32, #tpu.memory_space<hbm>>
      tpu.enqueue_indirect_dma source(%dma_start3A_115 : memref<100000x128xf32, #tpu.memory_space<hbm>>) target(%dma_start3A_111 : memref<128x128xf32, #tpu.memory_space<vmem>>) offsets(%dma_start3A_112 : memref<128xi32, #tpu.memory_space<vmem>>) semaphore(%arg11 : memref<!tpu.dma_semaphore, #tpu.memory_space<semaphore_mem>>)
      %mul3A_116 = arith.constant 256 : i32
      %mul3A_117 = arith.muli %mul3A_73, %mul3A_116 : i32
      %add3A_118 = arith.addi %mul3A_2, %mul3A_117 : i32
      %dma_start3A_119 = arith.constant 0 : i32
      %dma_start3A_120 = tpu.memref_slice %arg4[%add3A_118, %dma_start3A_119] : memref<204800x128xf32, #tpu.memory_space<hbm>> -> memref<256x128xf32, #tpu.memory_space<hbm>>
      %dma_start3A_121 = arith.constant 0 : i32
      %dma_start3A_122 = tpu.memref_slice %arg4[%add3A_118, %dma_start3A_121] : memref<204800x128xf32, #tpu.memory_space<hbm>> -> memref<256x128xf32, #tpu.memory_space<hbm>>
      tpu.enqueue_dma source(%arg6 : memref<256x128xf32, #tpu.memory_space<vmem>>) target(%dma_start3A_122 : memref<256x128xf32, #tpu.memory_space<hbm>>) target_semaphore(%arg12 : memref<!tpu.dma_semaphore, #tpu.memory_space<semaphore_mem>>)
      %dma_wait3A_123 = arith.constant 0 : i32
      %dma_wait3A_124 = arith.constant 0 : i32
      %dma_wait3A_125 = tpu.memref_slice %arg7[%dma_wait3A_123, %dma_wait3A_124] : memref<256x128xf32, #tpu.memory_space<vmem>> -> memref<128x128xf32, #tpu.memory_space<vmem>>
      %dma_wait3A_126 = arith.constant 0 : i32
      %dma_wait3A_127 = tpu.memref_slice %arg5[%dma_wait3A_126] : memref<6400xi32, #tpu.memory_space<vmem>> -> memref<128xi32, #tpu.memory_space<vmem>>
      %dma_wait3A_128 = arith.constant 0 : i32
      %dma_wait3A_129 = arith.constant 0 : i32
      %dma_wait3A_130 = tpu.memref_slice %arg3[%dma_wait3A_128, %dma_wait3A_129] : memref<100000x128xf32, #tpu.memory_space<hbm>> -> memref<100000x128xf32, #tpu.memory_space<hbm>>
      tpu.wait_indirect_dma semaphore(%arg10 : memref<!tpu.dma_semaphore, #tpu.memory_space<semaphore_mem>>) src(%dma_wait3A_130 : memref<100000x128xf32, #tpu.memory_space<hbm>>) dst(%dma_wait3A_125 : memref<128x128xf32, #tpu.memory_space<vmem>>)
      %dma_wait3A_131 = arith.constant 128 : i32
      %dma_wait3A_132 = arith.constant 0 : i32
      %dma_wait3A_133 = tpu.memref_slice %arg7[%dma_wait3A_131, %dma_wait3A_132] : memref<256x128xf32, #tpu.memory_space<vmem>> -> memref<128x128xf32, #tpu.memory_space<vmem>>
      %dma_wait3A_134 = arith.constant 0 : i32
      %dma_wait3A_135 = tpu.memref_slice %arg5[%dma_wait3A_134] : memref<6400xi32, #tpu.memory_space<vmem>> -> memref<128xi32, #tpu.memory_space<vmem>>
      %dma_wait3A_136 = arith.constant 0 : i32
      %dma_wait3A_137 = arith.constant 0 : i32
      %dma_wait3A_138 = tpu.memref_slice %arg3[%dma_wait3A_136, %dma_wait3A_137] : memref<100000x128xf32, #tpu.memory_space<hbm>> -> memref<100000x128xf32, #tpu.memory_space<hbm>>
      tpu.wait_indirect_dma semaphore(%arg10 : memref<!tpu.dma_semaphore, #tpu.memory_space<semaphore_mem>>) src(%dma_wait3A_138 : memref<100000x128xf32, #tpu.memory_space<hbm>>) dst(%dma_wait3A_133 : memref<128x128xf32, #tpu.memory_space<vmem>>)
      %add3A_139 = arith.constant 1 : i32
      %add3A_140 = arith.addi %mul3A_73, %add3A_139 : i32
      %mul3A_141 = arith.constant 256 : i32
      %mul3A_142 = arith.muli %add3A_140, %mul3A_141 : i32
      %add3A_143 = arith.addi %mul3A_2, %mul3A_142 : i32
      %dma_start3A_144 = arith.constant 0 : i32
      %dma_start3A_145 = tpu.memref_slice %arg4[%add3A_143, %dma_start3A_144] : memref<204800x128xf32, #tpu.memory_space<hbm>> -> memref<256x128xf32, #tpu.memory_space<hbm>>
      %dma_start3A_146 = arith.constant 0 : i32
      %dma_start3A_147 = tpu.memref_slice %arg4[%add3A_143, %dma_start3A_146] : memref<204800x128xf32, #tpu.memory_space<hbm>> -> memref<256x128xf32, #tpu.memory_space<hbm>>
      tpu.enqueue_dma source(%arg7 : memref<256x128xf32, #tpu.memory_space<vmem>>) target(%dma_start3A_147 : memref<256x128xf32, #tpu.memory_space<hbm>>) target_semaphore(%arg13 : memref<!tpu.dma_semaphore, #tpu.memory_space<semaphore_mem>>)
      %dma_wait3A_148 = arith.constant 0 : i32
      %dma_wait3A_149 = tpu.memref_slice %arg4[%mul3A_2, %dma_wait3A_148] : memref<204800x128xf32, #tpu.memory_space<hbm>> -> memref<256x128xf32, #tpu.memory_space<hbm>>
      %dma_wait3A_150 = arith.constant 0 : i32
      %dma_wait3A_151 = tpu.memref_slice %arg4[%mul3A_2, %dma_wait3A_150] : memref<204800x128xf32, #tpu.memory_space<hbm>> -> memref<256x128xf32, #tpu.memory_space<hbm>>
      tpu.wait_dma2 semaphore(%arg12 : memref<!tpu.dma_semaphore, #tpu.memory_space<semaphore_mem>>) src(%arg6 : memref<256x128xf32, #tpu.memory_space<vmem>>) dst(%dma_wait3A_151 : memref<256x128xf32, #tpu.memory_space<hbm>>)
      %add3A_152 = arith.constant 3 : i32
      %add3A_153 = arith.addi %mul3A_73, %add3A_152 : i32
      %mul3A_154 = arith.constant 256 : i32
      %mul3A_155 = arith.muli %add3A_153, %mul3A_154 : i32
      %add3A_156 = arith.constant 0 : i32
      %add3A_157 = arith.addi %mul3A_155, %add3A_156 : i32
      %dma_start3A_158 = arith.constant 0 : i32
      %dma_start3A_159 = arith.constant 0 : i32
      %dma_start3A_160 = tpu.memref_slice %arg6[%dma_start3A_158, %dma_start3A_159] : memref<256x128xf32, #tpu.memory_space<vmem>> -> memref<128x128xf32, #tpu.memory_space<vmem>>
      %dma_start3A_161 = tpu.memref_slice %arg5[%add3A_157] : memref<6400xi32, #tpu.memory_space<vmem>> -> memref<128xi32, #tpu.memory_space<vmem>>
      %dma_start3A_162 = arith.constant 0 : i32
      %dma_start3A_163 = arith.constant 0 : i32
      %dma_start3A_164 = tpu.memref_slice %arg3[%dma_start3A_162, %dma_start3A_163] : memref<100000x128xf32, #tpu.memory_space<hbm>> -> memref<100000x128xf32, #tpu.memory_space<hbm>>
      tpu.enqueue_indirect_dma source(%dma_start3A_164 : memref<100000x128xf32, #tpu.memory_space<hbm>>) target(%dma_start3A_160 : memref<128x128xf32, #tpu.memory_space<vmem>>) offsets(%dma_start3A_161 : memref<128xi32, #tpu.memory_space<vmem>>) semaphore(%arg9 : memref<!tpu.dma_semaphore, #tpu.memory_space<semaphore_mem>>)
      %mul3A_165 = arith.constant 256 : i32
      %mul3A_166 = arith.muli %add3A_153, %mul3A_165 : i32
      %add3A_167 = arith.constant 128 : i32
      %add3A_168 = arith.addi %mul3A_166, %add3A_167 : i32
      %dma_start3A_169 = arith.constant 128 : i32
      %dma_start3A_170 = arith.constant 0 : i32
      %dma_start3A_171 = tpu.memref_slice %arg6[%dma_start3A_169, %dma_start3A_170] : memref<256x128xf32, #tpu.memory_space<vmem>> -> memref<128x128xf32, #tpu.memory_space<vmem>>
      %dma_start3A_172 = tpu.memref_slice %arg5[%add3A_168] : memref<6400xi32, #tpu.memory_space<vmem>> -> memref<128xi32, #tpu.memory_space<vmem>>
      %dma_start3A_173 = arith.constant 0 : i32
      %dma_start3A_174 = arith.constant 0 : i32
      %dma_start3A_175 = tpu.memref_slice %arg3[%dma_start3A_173, %dma_start3A_174] : memref<100000x128xf32, #tpu.memory_space<hbm>> -> memref<100000x128xf32, #tpu.memory_space<hbm>>
      tpu.enqueue_indirect_dma source(%dma_start3A_175 : memref<100000x128xf32, #tpu.memory_space<hbm>>) target(%dma_start3A_171 : memref<128x128xf32, #tpu.memory_space<vmem>>) offsets(%dma_start3A_172 : memref<128xi32, #tpu.memory_space<vmem>>) semaphore(%arg9 : memref<!tpu.dma_semaphore, #tpu.memory_space<semaphore_mem>>)
      %dma_wait3A_176 = arith.constant 0 : i32
      %dma_wait3A_177 = arith.constant 0 : i32
      %dma_wait3A_178 = tpu.memref_slice %arg8[%dma_wait3A_176, %dma_wait3A_177] : memref<256x128xf32, #tpu.memory_space<vmem>> -> memref<128x128xf32, #tpu.memory_space<vmem>>
      %dma_wait3A_179 = arith.constant 0 : i32
      %dma_wait3A_180 = tpu.memref_slice %arg5[%dma_wait3A_179] : memref<6400xi32, #tpu.memory_space<vmem>> -> memref<128xi32, #tpu.memory_space<vmem>>
      %dma_wait3A_181 = arith.constant 0 : i32
      %dma_wait3A_182 = arith.constant 0 : i32
      %dma_wait3A_183 = tpu.memref_slice %arg3[%dma_wait3A_181, %dma_wait3A_182] : memref<100000x128xf32, #tpu.memory_space<hbm>> -> memref<100000x128xf32, #tpu.memory_space<hbm>>
      tpu.wait_indirect_dma semaphore(%arg11 : memref<!tpu.dma_semaphore, #tpu.memory_space<semaphore_mem>>) src(%dma_wait3A_183 : memref<100000x128xf32, #tpu.memory_space<hbm>>) dst(%dma_wait3A_178 : memref<128x128xf32, #tpu.memory_space<vmem>>)
      %dma_wait3A_184 = arith.constant 128 : i32
      %dma_wait3A_185 = arith.constant 0 : i32
      %dma_wait3A_186 = tpu.memref_slice %arg8[%dma_wait3A_184, %dma_wait3A_185] : memref<256x128xf32, #tpu.memory_space<vmem>> -> memref<128x128xf32, #tpu.memory_space<vmem>>
      %dma_wait3A_187 = arith.constant 0 : i32
      %dma_wait3A_188 = tpu.memref_slice %arg5[%dma_wait3A_187] : memref<6400xi32, #tpu.memory_space<vmem>> -> memref<128xi32, #tpu.memory_space<vmem>>
      %dma_wait3A_189 = arith.constant 0 : i32
      %dma_wait3A_190 = arith.constant 0 : i32
      %dma_wait3A_191 = tpu.memref_slice %arg3[%dma_wait3A_189, %dma_wait3A_190] : memref<100000x128xf32, #tpu.memory_space<hbm>> -> memref<100000x128xf32, #tpu.memory_space<hbm>>
      tpu.wait_indirect_dma semaphore(%arg11 : memref<!tpu.dma_semaphore, #tpu.memory_space<semaphore_mem>>) src(%dma_wait3A_191 : memref<100000x128xf32, #tpu.memory_space<hbm>>) dst(%dma_wait3A_186 : memref<128x128xf32, #tpu.memory_space<vmem>>)
      %add3A_192 = arith.constant 2 : i32
      %add3A_193 = arith.addi %mul3A_73, %add3A_192 : i32
      %mul3A_194 = arith.constant 256 : i32
      %mul3A_195 = arith.muli %add3A_193, %mul3A_194 : i32
      %add3A_196 = arith.addi %mul3A_2, %mul3A_195 : i32
      %dma_start3A_197 = arith.constant 0 : i32
      %dma_start3A_198 = tpu.memref_slice %arg4[%add3A_196, %dma_start3A_197] : memref<204800x128xf32, #tpu.memory_space<hbm>> -> memref<256x128xf32, #tpu.memory_space<hbm>>
      %dma_start3A_199 = arith.constant 0 : i32
      %dma_start3A_200 = tpu.memref_slice %arg4[%add3A_196, %dma_start3A_199] : memref<204800x128xf32, #tpu.memory_space<hbm>> -> memref<256x128xf32, #tpu.memory_space<hbm>>
      tpu.enqueue_dma source(%arg8 : memref<256x128xf32, #tpu.memory_space<vmem>>) target(%dma_start3A_200 : memref<256x128xf32, #tpu.memory_space<hbm>>) target_semaphore(%arg14 : memref<!tpu.dma_semaphore, #tpu.memory_space<semaphore_mem>>)
      %dma_wait3A_201 = arith.constant 0 : i32
      %dma_wait3A_202 = tpu.memref_slice %arg4[%mul3A_2, %dma_wait3A_201] : memref<204800x128xf32, #tpu.memory_space<hbm>> -> memref<256x128xf32, #tpu.memory_space<hbm>>
      %dma_wait3A_203 = arith.constant 0 : i32
      %dma_wait3A_204 = tpu.memref_slice %arg4[%mul3A_2, %dma_wait3A_203] : memref<204800x128xf32, #tpu.memory_space<hbm>> -> memref<256x128xf32, #tpu.memory_space<hbm>>
      tpu.wait_dma2 semaphore(%arg13 : memref<!tpu.dma_semaphore, #tpu.memory_space<semaphore_mem>>) src(%arg7 : memref<256x128xf32, #tpu.memory_space<vmem>>) dst(%dma_wait3A_204 : memref<256x128xf32, #tpu.memory_space<hbm>>)
      %add3A_205 = arith.constant 4 : i32
      %add3A_206 = arith.addi %mul3A_73, %add3A_205 : i32
      %lt3A = arith.constant 25 : i32
      %lt3A_207 = arith.cmpi slt, %add3A_206, %lt3A : i32
      %convert_element_type3A_208 = arith.extui %lt3A_207 : i1 to i32
      %cond3A_209 = arith.constant 0 : i32
      %cond3A_210 = arith.cmpi ne, %convert_element_type3A_208, %cond3A_209 : i32
      scf.if %cond3A_210 {
        %add3A_211 = arith.constant 4 : i32
        %add3A_212 = arith.addi %mul3A_73, %add3A_211 : i32
        %mul3A_213 = arith.constant 256 : i32
        %mul3A_214 = arith.muli %add3A_212, %mul3A_213 : i32
        %add3A_215 = arith.constant 0 : i32
        %add3A_216 = arith.addi %mul3A_214, %add3A_215 : i32
        %dma_start3A_217 = arith.constant 0 : i32
        %dma_start3A_218 = arith.constant 0 : i32
        %dma_start3A_219 = tpu.memref_slice %arg7[%dma_start3A_217, %dma_start3A_218] : memref<256x128xf32, #tpu.memory_space<vmem>> -> memref<128x128xf32, #tpu.memory_space<vmem>>
        %dma_start3A_220 = tpu.memref_slice %arg5[%add3A_216] : memref<6400xi32, #tpu.memory_space<vmem>> -> memref<128xi32, #tpu.memory_space<vmem>>
        %dma_start3A_221 = arith.constant 0 : i32
        %dma_start3A_222 = arith.constant 0 : i32
        %dma_start3A_223 = tpu.memref_slice %arg3[%dma_start3A_221, %dma_start3A_222] : memref<100000x128xf32, #tpu.memory_space<hbm>> -> memref<100000x128xf32, #tpu.memory_space<hbm>>
        tpu.enqueue_indirect_dma source(%dma_start3A_223 : memref<100000x128xf32, #tpu.memory_space<hbm>>) target(%dma_start3A_219 : memref<128x128xf32, #tpu.memory_space<vmem>>) offsets(%dma_start3A_220 : memref<128xi32, #tpu.memory_space<vmem>>) semaphore(%arg10 : memref<!tpu.dma_semaphore, #tpu.memory_space<semaphore_mem>>)
        %mul3A_224 = arith.constant 256 : i32
        %mul3A_225 = arith.muli %add3A_212, %mul3A_224 : i32
        %add3A_226 = arith.constant 128 : i32
        %add3A_227 = arith.addi %mul3A_225, %add3A_226 : i32
        %dma_start3A_228 = arith.constant 128 : i32
        %dma_start3A_229 = arith.constant 0 : i32
        %dma_start3A_230 = tpu.memref_slice %arg7[%dma_start3A_228, %dma_start3A_229] : memref<256x128xf32, #tpu.memory_space<vmem>> -> memref<128x128xf32, #tpu.memory_space<vmem>>
        %dma_start3A_231 = tpu.memref_slice %arg5[%add3A_227] : memref<6400xi32, #tpu.memory_space<vmem>> -> memref<128xi32, #tpu.memory_space<vmem>>
        %dma_start3A_232 = arith.constant 0 : i32
        %dma_start3A_233 = arith.constant 0 : i32
        %dma_start3A_234 = tpu.memref_slice %arg3[%dma_start3A_232, %dma_start3A_233] : memref<100000x128xf32, #tpu.memory_space<hbm>> -> memref<100000x128xf32, #tpu.memory_space<hbm>>
        tpu.enqueue_indirect_dma source(%dma_start3A_234 : memref<100000x128xf32, #tpu.memory_space<hbm>>) target(%dma_start3A_230 : memref<128x128xf32, #tpu.memory_space<vmem>>) offsets(%dma_start3A_231 : memref<128xi32, #tpu.memory_space<vmem>>) semaphore(%arg10 : memref<!tpu.dma_semaphore, #tpu.memory_space<semaphore_mem>>)
      } else {
      }
    }
    %scan3A_37 = arith.constant 8 : i32
    %dma_wait3A = arith.constant 0 : i32
    %dma_wait3A_38 = arith.constant 0 : i32
    %dma_wait3A_39 = tpu.memref_slice %arg6[%dma_wait3A, %dma_wait3A_38] : memref<256x128xf32, #tpu.memory_space<vmem>> -> memref<128x128xf32, #tpu.memory_space<vmem>>
    %dma_wait3A_40 = arith.constant 0 : i32
    %dma_wait3A_41 = tpu.memref_slice %arg5[%dma_wait3A_40] : memref<6400xi32, #tpu.memory_space<vmem>> -> memref<128xi32, #tpu.memory_space<vmem>>
    %dma_wait3A_42 = arith.constant 0 : i32
    %dma_wait3A_43 = arith.constant 0 : i32
    %dma_wait3A_44 = tpu.memref_slice %arg3[%dma_wait3A_42, %dma_wait3A_43] : memref<100000x128xf32, #tpu.memory_space<hbm>> -> memref<100000x128xf32, #tpu.memory_space<hbm>>
    tpu.wait_indirect_dma semaphore(%arg9 : memref<!tpu.dma_semaphore, #tpu.memory_space<semaphore_mem>>) src(%dma_wait3A_44 : memref<100000x128xf32, #tpu.memory_space<hbm>>) dst(%dma_wait3A_39 : memref<128x128xf32, #tpu.memory_space<vmem>>)
    %dma_wait3A_45 = arith.constant 128 : i32
    %dma_wait3A_46 = arith.constant 0 : i32
    %dma_wait3A_47 = tpu.memref_slice %arg6[%dma_wait3A_45, %dma_wait3A_46] : memref<256x128xf32, #tpu.memory_space<vmem>> -> memref<128x128xf32, #tpu.memory_space<vmem>>
    %dma_wait3A_48 = arith.constant 0 : i32
    %dma_wait3A_49 = tpu.memref_slice %arg5[%dma_wait3A_48] : memref<6400xi32, #tpu.memory_space<vmem>> -> memref<128xi32, #tpu.memory_space<vmem>>
    %dma_wait3A_50 = arith.constant 0 : i32
    %dma_wait3A_51 = arith.constant 0 : i32
    %dma_wait3A_52 = tpu.memref_slice %arg3[%dma_wait3A_50, %dma_wait3A_51] : memref<100000x128xf32, #tpu.memory_space<hbm>> -> memref<100000x128xf32, #tpu.memory_space<hbm>>
    tpu.wait_indirect_dma semaphore(%arg9 : memref<!tpu.dma_semaphore, #tpu.memory_space<semaphore_mem>>) src(%dma_wait3A_52 : memref<100000x128xf32, #tpu.memory_space<hbm>>) dst(%dma_wait3A_47 : memref<128x128xf32, #tpu.memory_space<vmem>>)
    %dma_wait3A_53 = arith.constant 0 : i32
    %dma_wait3A_54 = tpu.memref_slice %arg4[%mul3A_2, %dma_wait3A_53] : memref<204800x128xf32, #tpu.memory_space<hbm>> -> memref<256x128xf32, #tpu.memory_space<hbm>>
    %dma_wait3A_55 = arith.constant 0 : i32
    %dma_wait3A_56 = tpu.memref_slice %arg4[%mul3A_2, %dma_wait3A_55] : memref<204800x128xf32, #tpu.memory_space<hbm>> -> memref<256x128xf32, #tpu.memory_space<hbm>>
    tpu.wait_dma2 semaphore(%arg14 : memref<!tpu.dma_semaphore, #tpu.memory_space<semaphore_mem>>) src(%arg8 : memref<256x128xf32, #tpu.memory_space<vmem>>) dst(%dma_wait3A_56 : memref<256x128xf32, #tpu.memory_space<hbm>>)
    %add3A_57 = arith.constant 6144 : i32
    %add3A_58 = arith.addi %mul3A_2, %add3A_57 : i32
    %dma_start3A_59 = arith.constant 0 : i32
    %dma_start3A_60 = tpu.memref_slice %arg4[%add3A_58, %dma_start3A_59] : memref<204800x128xf32, #tpu.memory_space<hbm>> -> memref<256x128xf32, #tpu.memory_space<hbm>>
    %dma_start3A_61 = arith.constant 0 : i32
    %dma_start3A_62 = tpu.memref_slice %arg4[%add3A_58, %dma_start3A_61] : memref<204800x128xf32, #tpu.memory_space<hbm>> -> memref<256x128xf32, #tpu.memory_space<hbm>>
    tpu.enqueue_dma source(%arg6 : memref<256x128xf32, #tpu.memory_space<vmem>>) target(%dma_start3A_62 : memref<256x128xf32, #tpu.memory_space<hbm>>) target_semaphore(%arg12 : memref<!tpu.dma_semaphore, #tpu.memory_space<semaphore_mem>>)
    %dma_wait3A_63 = arith.constant 0 : i32
    %dma_wait3A_64 = tpu.memref_slice %arg4[%mul3A_2, %dma_wait3A_63] : memref<204800x128xf32, #tpu.memory_space<hbm>> -> memref<256x128xf32, #tpu.memory_space<hbm>>
    %dma_wait3A_65 = arith.constant 0 : i32
    %dma_wait3A_66 = tpu.memref_slice %arg4[%mul3A_2, %dma_wait3A_65] : memref<204800x128xf32, #tpu.memory_space<hbm>> -> memref<256x128xf32, #tpu.memory_space<hbm>>
    tpu.wait_dma2 semaphore(%arg12 : memref<!tpu.dma_semaphore, #tpu.memory_space<semaphore_mem>>) src(%arg6 : memref<256x128xf32, #tpu.memory_space<vmem>>) dst(%dma_wait3A_66 : memref<256x128xf32, #tpu.memory_space<hbm>>)
    return
  }
}

module attributes {stable_mosaic.version = 14 : i64} {
  func.func @_concat_body(%arg0: i32, %arg1: memref<64x2048xf32, #tpu.memory_space<vmem>>, %arg2: memref<64x2048xf32, #tpu.memory_space<vmem>>, %arg3: memref<2048x128xf32, #tpu.memory_space<vmem>>) attributes {dimension_semantics = [#tpu.dimension_semantics<arbitrary>], iteration_bounds = array<i64: 49>, scalar_prefetch = 0 : i64, scratch_operands = 0 : i64, tpu.core_type = #tpu.core_type<tc>, window_params = [{transform_indices = @transform_0, window_bounds = array<i64: 64, 2048>}, {transform_indices = @transform_1, window_bounds = array<i64: 64, 2048>}, {transform_indices = @transform_2, window_bounds = array<i64: 2048, 128>}]} {
    %get3A = arith.constant 0 : index
    %get3A_0 = arith.constant 0 : index
    %get3A_1 = vector.load %arg1[%get3A, %get3A_0] : memref<64x2048xf32, #tpu.memory_space<vmem>>, vector<64x2048xf32>
    %transpose3A = tpu.transpose %get3A_1, [1, 0] : vector<64x2048xf32> -> vector<2048x64xf32>
    %get3A_2 = arith.constant 0 : index
    %get3A_3 = arith.constant 0 : index
    %get3A_4 = vector.load %arg2[%get3A_2, %get3A_3] : memref<64x2048xf32, #tpu.memory_space<vmem>>, vector<64x2048xf32>
    %transpose3A_5 = tpu.transpose %get3A_4, [1, 0] : vector<64x2048xf32> -> vector<2048x64xf32>
    %concatenate3A = tpu.concatenate %transpose3A, %transpose3A_5 in 1 : vector<2048x64xf32>, vector<2048x64xf32> -> vector<2048x128xf32>
    %swap3A = arith.constant 0 : index
    %swap3A_6 = arith.constant 0 : index
    %swap3A_7 = vector.load %arg3[%swap3A, %swap3A_6] : memref<2048x128xf32, #tpu.memory_space<vmem>>, vector<2048x128xf32>
    tpu.vector_store %arg3[%swap3A, %swap3A_6], %concatenate3A {strides = array<i32>} : memref<2048x128xf32, #tpu.memory_space<vmem>>, vector<2048x128xf32>,
    return
  }
  func.func @transform_0(%arg0: i32) -> (i32, i32) {
    %c0_i32 = arith.constant 0 : i32
    %c0_i32_0 = arith.constant 0 : i32
    return %c0_i32, %arg0 : i32, i32
  }
  func.func @transform_1(%arg0: i32) -> (i32, i32) {
    %c0_i32 = arith.constant 0 : i32
    %c0_i32_0 = arith.constant 0 : i32
    return %c0_i32, %arg0 : i32, i32
  }
  func.func @transform_2(%arg0: i32) -> (i32, i32) {
    %c0_i32 = arith.constant 0 : i32
    %c0_i32_0 = arith.constant 0 : i32
    return %arg0, %c0_i32 : i32, i32
  }
}

</mosaic_0001>

<sc_bundles>
// kernel: kernel.4.cloned.1.call-start
scs
__scs_entry_jumppad:
0x0: {  	(pc) =	sbr.rel $0x88, $3  }
0x1: {  	(tag) =	ssettag $0x0;
	lr =	simm.s32 $0x1  }
0x2: {  	[smem:$0x3F9E] =	sst lr;
	_ =	strace $0xD0000000  }
0x3: {  	_ = 	snop  }
0x4: {  	_ = 	snop  }
0x5: {  	_ = 	snop  }
0x6: {  	_ = 	snop  }
0x7: {  	_ = 	snop  }
__scs_overlays_trampoline_lowered:
0x8: {  	[smem:$0x3FAD] =	sst s0  }
0x9: {  	[smem:$0x3FAE] =	sst s1  }
0xa: {  	[smem:$0x3FAF] =	sst s2  }
0xb: {  	[smem:$0x3FB0] =	sst s3  }
0xc: {  	[smem:$0x3FB1] =	sst s4  }
0xd: {  	[smem:$0x3FB2] =	sst s5  }
0xe: {  	[smem:$0x3FB3] =	sst s6  }
0xf: {  	[smem:$0x3FB4] =	sst s7  }
0x10: {  	[smem:$0x3FB5] =	sst s8  }
0x11: {  	[smem:$0x3FB6] =	sst s9;
	s0 =	simm.s32 @!p0 $0x0  }
0x12: {  	s1 =	sld [smem:$0x3F9C];
	s0 =	simm.s32 @p0 $0x1  }
0x13: {  	[smem:$0x3FB7] =	sst s0;
	s0 =	simm.s32 @!p1 $0x0  }
0x14: {  	s2 =	sld [smem:$0x3F9B];
	s0 =	simm.s32 @p1 $0x1  }
0x15: {  	[smem:$0x3FB8] =	sst s0;
	s0 =	simm.s32 @!p2 $0x0  }
0x16: {  	s3 =	sld [smem:$0x3FDB];
	s0 =	simm.s32 @p2 $0x1  }
0x17: {  	s4 =	simm.s32 $0x1BF5;
	[smem:$0x3FBA] =	sst s0  }
0x18: {  	s0 =	sld [smem:$0x3F9D];
	_ =	swait.ge [sflag:s4], $0x0  }
0x19: {  	s7 =	sld [smem:$0x3F9E]  }
0x1a: {  	s8 =	sadd.s32 $0xFFFFE003, lr  }
0x1b: {  	s9 =	sadd.s32 $0xFFFFFEF7, lr;
	s5 =	simm.s32 $0xFFFFFFFF;
	p2 =	slt.u32 s8, $0xFFFFF086  }
0x1c: {  	p1 =	slt.u32 s9, $0xF7A;
	s5 =	simm.s32 @!p2 $0x0  }
0x1d: {  	s5 =	simm.s32 @p1 $0x1;
	p0 =	seq.s32 s7, s2  }
0x1e: {  	s7 =	smul.u32 @!p0 $0xF7A, s2;
	p2 =	seq.s32 @!p0 s5, $0x0  }
0x1f: {  	s9 =	smul.u32 $0xF7A, s1;
	s8 =	simm.s32 @!p0 $0x1BF5;
	p2 =	por !p2, p0  }
0x20: {  	[sflag:s8] =	ssyncset.s32 @!p0 $0xFFFFF086;
	s6 =	sadd.s32 @!p0 s3, s7;
	s7 =	simm.s32 @!p0 $0x108  }
0x21: {  	s3 =	sadd.s32 s3, s9;
	s6 =	sadd.s32 @!p0 $0x88, s6;
	s7 =	simm.s32 @p2 $0x1082  }
0x22: {  	[simem:s7], [sflag:s8] =	dma.local @!p0 [hbm:s6], $0xF7A  }
0x23: {  	s9 =	sor.u32 $0xD0000000, s2;
	s6 =	simm.s32 $0x108;
	_ =	swait.ge @!p0 [sflag:s8], $0x0  }
0x24: {  	s3 =	sadd.s32 $0x88, s3;
	s6 =	simm.s32 @!p1 $0x1082;
	[sflag:s4] =	ssyncset.s32 $0xFFFFF086  }
0x25: {  	[simem:s6], [sflag:s4] =	dma.local [hbm:s3], $0xF7A  }
0x26: {  	[smem:$0x3F9E] =	sst s1;
	(tag) =	ssettag s2;
	_ =	strace s9  }
0x27: {  	s1 =	sld [smem:$0x3FAE]  }
0x28: {  	s2 =	sld [smem:$0x3FAF]  }
0x29: {  	s4 =	sld [smem:$0x3FB1]  }
0x2a: {  	p0 =	seq.s32 s5, $0x0;
	s5 =	sld [smem:$0x3FB2]  }
0x2b: {  	s6 =	sld [smem:$0x3FB3]  }
0x2c: {  	s7 =	sld [smem:$0x3FB4]  }
0x2d: {  	s3 =	simm.s32 $0x108;
	s8 =	sld [smem:$0x3FB5]  }
0x2e: {  	s3 =	simm.s32 @!p0 $0x1082;
	s9 =	sld [smem:$0x3FB6]  }
0x2f: {  	lr =	sadd.s32 s0, s3;
	s0 =	sld [smem:$0x3FAD]  }
0x30: {  	s3 =	sld [smem:$0x3FB0]  }
0x31: {  	[smem:$0x3FB9] =	sst s10  }
0x32: {  	s10 =	sld [smem:$0x3FB7];
	_ =	sdelay $0x3  }
0x33: {  	p0 =	seq.s32 s10, $0x1;
	s10 =	sld [smem:$0x3FB9];
	_ =	sdelay $0x3  }
0x34: {  	[smem:$0x3FB9] =	sst s10  }
0x35: {  	s10 =	sld [smem:$0x3FB8];
	_ =	sdelay $0x3  }
0x36: {  	p1 =	seq.s32 s10, $0x1;
	s10 =	sld [smem:$0x3FB9];
	_ =	sdelay $0x3  }
0x37: {  	[smem:$0x3FB9] =	sst s10  }
0x38: {  	s10 =	sld [smem:$0x3FBA]  }
0x39: {  	_ = 	snop;
	(pc) =	sbr.ind lr, $3  }
0x3a: {  	_ = 	snop  }
0x3b: {  	_ = 	snop  }
0x3c: {  	p2 =	seq.s32 s10, $0x1;
	s10 =	sld [smem:$0x3FB9]  }
0x3d: {  	_ =	shalt  }
0x3e: {  	_ =	shalt  }
0x3f: {  	_ =	shalt  }
0x40: {  	_ =	shalt  }
0x41: {  	_ =	shalt  }
0x42: {  	_ =	shalt  }
0x43: {  	_ =	shalt  }
0x44: {  	_ =	shalt  }
0x45: {  	_ =	shalt  }
0x46: {  	_ =	shalt  }
0x47: {  	_ =	shalt  }
0x48: {  	_ =	shalt  }
0x49: {  	_ =	shalt  }
0x4a: {  	_ =	shalt  }
0x4b: {  	_ =	shalt  }
0x4c: {  	_ =	shalt  }
0x4d: {  	_ =	shalt  }
0x4e: {  	_ =	shalt  }
0x4f: {  	_ =	shalt  }
0x50: {  	_ =	shalt  }
0x51: {  	_ =	shalt  }
0x52: {  	_ =	shalt  }
0x53: {  	_ =	shalt  }
0x54: {  	_ =	shalt  }
0x55: {  	_ =	shalt  }
0x56: {  	_ =	shalt  }
0x57: {  	_ =	shalt  }
0x58: {  	_ =	shalt  }
0x59: {  	_ =	shalt  }
0x5a: {  	_ =	shalt  }
0x5b: {  	_ =	shalt  }
0x5c: {  	_ =	shalt  }
0x5d: {  	_ =	shalt  }
0x5e: {  	_ =	shalt  }
0x5f: {  	_ =	shalt  }
0x60: {  	_ =	shalt  }
0x61: {  	_ =	shalt  }
0x62: {  	_ =	shalt  }
0x63: {  	_ =	shalt  }
0x64: {  	_ =	shalt  }
0x65: {  	_ =	shalt  }
0x66: {  	_ =	shalt  }
0x67: {  	_ =	shalt  }
0x68: {  	_ =	shalt  }
0x69: {  	_ =	shalt  }
0x6a: {  	_ =	shalt  }
0x6b: {  	_ =	shalt  }
0x6c: {  	_ =	shalt  }
0x6d: {  	_ =	shalt  }
0x6e: {  	_ =	shalt  }
0x6f: {  	_ =	shalt  }
0x70: {  	_ =	shalt  }
0x71: {  	_ =	shalt  }
0x72: {  	_ =	shalt  }
0x73: {  	_ =	shalt  }
0x74: {  	_ =	shalt  }
0x75: {  	_ =	shalt  }
0x76: {  	_ =	shalt  }
0x77: {  	_ =	shalt  }
0x78: {  	_ =	shalt  }
0x79: {  	_ =	shalt  }
0x7a: {  	_ =	shalt  }
0x7b: {  	_ =	shalt  }
0x7c: {  	_ =	shalt  }
0x7d: {  	_ =	shalt  }
0x7e: {  	_ =	shalt  }
0x7f: {  	_ =	shalt  }
0x80: {  	_ =	shalt  }
0x81: {  	_ =	shalt  }
0x82: {  	_ =	shalt  }
0x83: {  	_ =	shalt  }
0x84: {  	_ =	shalt  }
0x85: {  	_ =	shalt  }
0x86: {  	_ =	shalt  }
0x87: {  	_ =	shalt  }
.Lfunc_end0:
.L_simem_size_0:
called_computation_lowered:
.L_overlay_start_0:
0x88: {  	s2 =	sld [smem:$0x3FD9]  }
0x89: {  	s3 =	sld [smem:$0x3FFE];
	_ =	sdelay $0x1  }
0x8a: {  	s1 =	srdreg.scid  }
0x8b: {  	s0 =	sand.u32 $0x1, s1  }
0x8c: {  	s17 =	sshll.u32 s0, $0xA;
	s2 =	sadd.s32 s3, s2  }
0x8d: {  	s2 =	sadd.s32 s2, s17  }
0x8e: {  	[smem:$0x3FC5] =	sst s2  }
0x8f: {  	_ = 	snop  }
0x90: {  	s2 =	sld [smem:$0x3FD0];
	(tm) =	ssettm $0x1  }
0x91: {  	s18 =	sld [smem:$0x3FFB];
	_ =	sdelay $0x3  }
0x92: {  	_ =	strace s18  }
0x93: {  	s3 =	sld [smem:$0x3FFC];
	_ =	sdelay $0x3  }
0x94: {  	_ =	strace s3  }
0x95: {  	s3 =	sld [smem:$0x3FFD];
	_ =	sdelay $0x3  }
0x96: {  	_ =	strace s3  }
0x97: {  	_ =	strace $0x8FFFFFFF  }
0x98: {  	s19 =	sld [smem:$0x3FDB];
	_ =	sdelay $0x1  }
0x99: {  	s4 =	simm.s32 $_scs_section_size  }
0x9a: {  	s5 =	simm.s32 $_size__tile_overlayer_lowered;
	s6 =	simm.s32 $_tile_overlayer_lowered  }
0x9b: {  	s22 =	simm.s32 $0x1BFF;
	s21 =	sshll.u32 s6, $0x1;
	s3 =	sadd.s32 s4, s19  }
0x9c: {  	s7 =	simm.s32 $0x0;
	s20 =	sshll.u32 s5, $0x1;
	s5 =	sadd.s32 s21, s3  }
0x9d: {  	[timem:s7], [sflag:s22] =	dma.local [hbm:s5], s20  }
0x9e: {  	_ =	swait.ge [sflag:s22], s20  }
0x9f: {  	s4 =	ssub.s32 $0x0, s20;
	[sflag:s22] =	ssyncset.done $0x0  }
0xa0: {  	[sflag:s22] =	ssyncadd.s32 s4;
	_ =	sdelay $0x1  }
0xa1: {  	s23 =	simm.s32 $0x1B8B  }
0xa2: {  	_ =	swait.ge [sflag:s23], $0x1  }
0xa3: {  	[sflag:s23] =	ssyncset.done $0x0  }
0xa4: {  	s25 =	simm.s32 $0x1B8E;
	s24 =	sld [smem:$0x3FFE];
	[sflag:s23] =	ssyncadd.s32 $0xFFFFFFFF  }
0xa5: {  	s26 =	simm.s32 $execute0_lowered;
	[smem:$0x3FD2] =	sst s25  }
0xa6: {  	s5 =	sshll.u32 s26, $0x1;
	_ =	strace $0x80000046;
	[dreg:$0x1] =	wrdreg $0xFFFFFFFF  }
0xa7: {  	s28 =	simm.s32 $_size_execute0_lowered;
	s3 =	sadd.s32 s3, s5;
	[dreg:$0x0] =	wrdreg $0x0  }
0xa8: {  	s5 =	sshll.u32 s28, $0x1;
	[dreg:$0x2] =	wrdreg s3  }
0xa9: {  	[dreg:$0x3] =	wrdreg s5  }
0xaa: {  	[dreg:$0x4] =	wrdreg $0xC0  }
0xab: {  	_ =	task [dreg:s7], $0x5FFFF  }
0xac: {  	[dreg:$0x1] =	wrdreg $0xFFFFFFFF  }
0xad: {  	[dreg:$0x0] =	wrdreg $0x60  }
0xae: {  	[dreg:$0x2] =	wrdreg s24  }
0xaf: {  	[dreg:$0x3] =	wrdreg s2  }
0xb0: {  	[dreg:$0x4] =	wrdreg $0x9  }
0xb1: {  	_ =	task.clear_ibuf [dreg:s7], $0x5FFFF;
	_ =	strace $0x90000046  }
0xb2: {  	s29 =	simm.s32 $0x9;
	_ =	strace $0x80000048  }
0xb3: {  	_ =	swait.ge [sflag:s29], $0x1  }
0xb4: {  	[sflag:s29] =	ssyncadd.s32 $0xFFFFFFFF  }
0xb5: {  	_ =	strace $0x90000048  }
0xb6: {  	_ =	sfence  }
0xb7: {  	s30 =	sld [smem:$0x0];
	_ =	sdelay $0x2  }
0xb8: {  	s31 =	sshll.u32 s1, $0xD;
	s1 =	sshrl.u32 s1, $0x2  }
0xb9: {  	s3 =	sand.u32 $0x4000, s31;
	s1 =	sadd.s32 s1, s30  }
0xba: {  	s0 =	sor.u32 s3, s0;
	s1 =	sshll.u32 s1, $0x11  }
0xbb: {  	s0 =	sor.u32 s1, s0  }
0xbc: {  	s0 =	sadd.s32 $0x8F2B, s0  }
0xbd: {  	[sflag:s0] =	ssyncadd.remote.s32 $0x1  }
0xbe: {  	_ =	sfence.sel $0xFFFF  }
0xbf: {  	[dreg:$0x0] =	wrdreg $0xFFFFFFFF;
	(pc) =	sbr.abs _section_cstart, $3  }
0xc0: {  	[dreg:$0x1] =	wrdreg $0xFFFFFFFF  }
0xc1: {  	_ =	task.clear_ibuf [dreg:s7], $0x2FFFF;
	_ =	strace $0x9FFFFFFF  }
0xc2: {  	(tm) =	ssettm $0x7FFFFFFF  }
0xc3: {  	_ =	shalt  }
tec
execute0_lowered:
.L_overlay_start_1:
0x0: {  	(tag) =	ssettag $0x1  }
0x1: {  	s0 =	rddreg [dreg:$0x0];
	s1 =	srdreg.scid  }
0x2: {  	s11 =	stileid.u32;
	s8 =	rddreg [dreg:$0x1];
	s2 =	simm.s32 $0x0  }
0x3: {  	s12 =	simm.s32 $0x80;
	s13 =	simm.s32 $0x1900;
	s14 =	simm.s32 $0x5900  }
0x4: {  	s16 =	simm.s32 $0x9900;
	s28 =	simm.s32 $0x380;
	s29 =	simm.s32 $0x3  }
0x5: {  	s30 =	simm.s32 $0x5;
	s31 =	simm.s32 $0x400;
	s15 =	simm.s32 $0x0  }
0x6: {  	s1 =	sand.u32 $0x1, s1;
	s3 =	sshll.u32 s11, $0x1;
	s11 =	smul.u32 $0x32000, s11  }
0x7: {  	[smem:$0x7FF] =	sst s2;
	s5 =	sor.u32 s1, s3;
	s24 =	smul.u32 $0x19000, s1  }
0x8: {  	_ =	strace $0x80000047;
	s4 =	ssub.s32 $0x2, s1;
	s6 =	smul.u32 $0x1900, s5  }
0x9: {  	s3 =	sadd.s32 $0x6800, s0;
	s1 =	simm.s32 $0x480;
	s9 =	smul.u32 $0xC8000, s5  }
0xa: {  	s7 =	sshrl.u32 s4, $0x1;
	s21 =	smul.u32 $0x19000, s5;
	s26 =	sadd.s32 s11, s8  }
0xb: {  	s11 =	simm.s32 $0x7;
	s19 =	ssub.s32 s4, s7;
	s18 =	sshrl.u32 s6, $0x3  }
0xc: {  	s20 =	sshrl.u32 s9, $0x3;
	s22 =	sshll.u32 s6, $0x4;
	s6 =	smax.u32 s19, $0x1  }
0xd: {  	s7 =	sadd.s32 s8, s21;
	s19 =	simm.s32 $0x1;
	s21 =	simm.s32 $0x11900  }
.Ltmp0:
0xe: {  	s10 =	sadd.s32 s18, s0;
	s23 =	sadd.s32 s8, s20;
	(pc) =	sbr.rel .LBB2_1-.Ltmp0, $4  }
0xf: {  	s25 =	sadd.s32 s8, s22;
	s9 =	sadd.s32 $0x2000, s7;
	s0 =	sadd.s32 s24, s26  }
0x10: {  	s18 =	simm.s32 $0xD900;
	s24 =	simm.s32 $0x2;
	s4 =	sadd.s32 $0x400, s10  }
0x11: {  	s5 =	sadd.s32 $0x18000, s23;
	s8 =	sadd.s32 $0x1000, s25;
	s20 =	sadd.s32 $0x3000, s0  }
0x12: {  	s23 =	simm.s32 $0x15900;
	s25 =	simm.s32 $0x4;
	s0 =	simm.s32 $0x6  }
.LBB2_4:
0x13: {  	_ =	swait.ge [sflag:s19], $0x4000  }
0x14: {  	[sflag:s19] =	ssyncset.done $0x0  }
0x15: {  	[sflag:s19] =	ssyncadd.s32 $0xFFFFC000  }
0x16: {  	_ =	swait.ge [sflag:s19], $0x4000  }
0x17: {  	[sflag:s19] =	ssyncset.done $0x0  }
0x18: {  	[sflag:s19] =	ssyncadd.s32 $0xFFFFC000  }
0x19: {  	s15 =	sadd.s32 $0x1, s15;
	_ =	swait.ge [sflag:s0], $0x8000  }
0x1a: {  	p0 =	sne.s32 s15, s6;
	[sflag:s0] =	ssyncset.done $0x0  }
.Ltmp1:
0x1b: {  	[sflag:s0] =	ssyncadd.s32 $0xFFFF8000;
	(pc) =	sbr.rel @!p0 .LBB2_5-.Ltmp1, $4  }
0x1c: {  	[hbm4b:s5+s2] =	stream.linear.scatter [tilespmem:s13], [sflag:$0x4], $0x8000, $0x38;
	[tilespmem:$0x19900] =	vst v63  }
0x1d: {  	_ =	swait.ge [sflag:s25], $0x8000  }
0x1e: {  	[sflag:s25] =	ssyncset.done $0x0  }
0x1f: {  	[sflag:s25] =	ssyncadd.s32 $0xFFFF8000  }
.LBB2_1:
0x20: {  	[tilespmem:s2], [sflag:$0x7] =	stream.linear.gather [hbm4b:s4+s2], $0x1900, $0x38;
	[tilespmem:$0x19900] =	vst v63  }
0x21: {  	_ =	swait.ge [sflag:s11], $0x1900  }
0x22: {  	[sflag:s11] =	ssyncset.done $0x0  }
0x23: {  	[sflag:s11] =	ssyncadd.s32 $0xFFFFE700  }
0x24: {  	[tilespmem:s13], [sflag:$0x1] =	stream.indirect.gather [hbm4b:s3+s12], $0x80, s2, s12, $0xb8;
	[tilespmem:$0x19900] =	vst v63  }
0x25: {  	_ = 	snop  }
0x26: {  	[tilespmem:s14], [sflag:$0x1] =	stream.indirect.gather [hbm4b:s3+s12], $0x80, s12, s12, $0xb8;
	[tilespmem:$0x19900] =	vst v63  }
0x27: {  	s10 =	simm.s32 $0x100  }
0x28: {  	[tilespmem:s16], [sflag:$0x2] =	stream.indirect.gather [hbm4b:s3+s12], $0x80, s10, s12, $0xb8;
	[tilespmem:$0x19900] =	vst v63  }
0x29: {  	s26 =	simm.s32 $0x180  }
0x2a: {  	[tilespmem:s18], [sflag:$0x2] =	stream.indirect.gather [hbm4b:s3+s12], $0x80, s26, s12, $0xb8;
	[tilespmem:$0x19900] =	vst v63  }
0x2b: {  	_ =	swait.ge [sflag:s19], $0x4000  }
0x2c: {  	[sflag:s19] =	ssyncset.done $0x0  }
0x2d: {  	[sflag:s19] =	ssyncadd.s32 $0xFFFFC000  }
0x2e: {  	_ =	swait.ge [sflag:s19], $0x4000  }
0x2f: {  	[sflag:s19] =	ssyncset.done $0x0  }
0x30: {  	s17 =	simm.s32 $0x200;
	[sflag:s19] =	ssyncadd.s32 $0xFFFFC000  }
0x31: {  	[tilespmem:s21], [sflag:$0x3] =	stream.indirect.gather [hbm4b:s3+s12], $0x80, s17, s12, $0xb8;
	[tilespmem:$0x19900] =	vst v63  }
0x32: {  	s22 =	simm.s32 $0x280  }
0x33: {  	[tilespmem:s23], [sflag:$0x3] =	stream.indirect.gather [hbm4b:s3+s12], $0x80, s22, s12, $0xb8;
	[tilespmem:$0x19900] =	vst v63  }
0x34: {  	_ = 	snop  }
0x35: {  	[hbm4b:s7+s2] =	stream.linear.scatter [tilespmem:s13], [sflag:$0x4], $0x8000, $0x38;
	[tilespmem:$0x19900] =	vst v63  }
0x36: {  	_ =	swait.ge [sflag:s24], $0x4000  }
0x37: {  	[sflag:s24] =	ssyncset.done $0x0  }
0x38: {  	[sflag:s24] =	ssyncadd.s32 $0xFFFFC000  }
0x39: {  	_ =	swait.ge [sflag:s24], $0x4000  }
0x3a: {  	[sflag:s24] =	ssyncset.done $0x0  }
0x3b: {  	[sflag:s24] =	ssyncadd.s32 $0xFFFFC000  }
0x3c: {  	[hbm4b:s8+s2] =	stream.linear.scatter [tilespmem:s16], [sflag:$0x5], $0x8000, $0x38;
	[tilespmem:$0x19900] =	vst v63  }
0x3d: {  	_ =	swait.ge [sflag:s25], $0x8000  }
0x3e: {  	[sflag:s25] =	ssyncset.done $0x0  }
0x3f: {  	s26 =	simm.s32 $0x300;
	[sflag:s25] =	ssyncadd.s32 $0xFFFF8000  }
0x40: {  	[tilespmem:s13], [sflag:$0x1] =	stream.indirect.gather [hbm4b:s3+s12], $0x80, s26, s12, $0xb8;
	[tilespmem:$0x19900] =	vst v63  }
0x41: {  	_ = 	snop  }
0x42: {  	[tilespmem:s14], [sflag:$0x1] =	stream.indirect.gather [hbm4b:s3+s12], $0x80, s28, s12, $0xb8;
	[tilespmem:$0x19900] =	vst v63  }
0x43: {  	_ =	swait.ge [sflag:s29], $0x4000  }
0x44: {  	[sflag:s29] =	ssyncset.done $0x0  }
0x45: {  	[sflag:s29] =	ssyncadd.s32 $0xFFFFC000  }
0x46: {  	_ =	swait.ge [sflag:s29], $0x4000  }
0x47: {  	[sflag:s29] =	ssyncset.done $0x0  }
0x48: {  	[sflag:s29] =	ssyncadd.s32 $0xFFFFC000  }
0x49: {  	[hbm4b:s9+s2] =	stream.linear.scatter [tilespmem:s21], [sflag:$0x6], $0x8000, $0x38;
	[tilespmem:$0x19900] =	vst v63  }
0x4a: {  	_ =	swait.ge [sflag:s30], $0x8000  }
0x4b: {  	[sflag:s30] =	ssyncset.done $0x0  }
0x4c: {  	[sflag:s30] =	ssyncadd.s32 $0xFFFF8000  }
0x4d: {  	[tilespmem:s16], [sflag:$0x2] =	stream.indirect.gather [hbm4b:s3+s12], $0x80, s31, s12, $0xb8;
	[tilespmem:$0x19900] =	vst v63  }
0x4e: {  	s10 =	smov.u32 s20;
	s17 =	simm.s32 $0x0  }
0x4f: {  	[tilespmem:s18], [sflag:$0x2] =	stream.indirect.gather [hbm4b:s3+s12], $0x80, s1, s12, $0xb8;
	[tilespmem:$0x19900] =	vst v63  }
.LBB2_2:
0x50: {  	_ =	swait.ge [sflag:s19], $0x4000  }
0x51: {  	[sflag:s19] =	ssyncset.done $0x0  }
0x52: {  	[sflag:s19] =	ssyncadd.s32 $0xFFFFC000  }
0x53: {  	_ =	swait.ge [sflag:s19], $0x4000  }
0x54: {  	[sflag:s19] =	ssyncset.done $0x0  }
0x55: {  	[sflag:s19] =	ssyncadd.s32 $0xFFFFC000  }
0x56: {  	_ =	swait.ge [sflag:s0], $0x8000  }
0x57: {  	s22 =	sshra.s32 s17, $0x2;
	[sflag:s0] =	ssyncset.done $0x0  }
0x58: {  	s26 =	sadd.s32 $0x500, s22;
	[sflag:s0] =	ssyncadd.s32 $0xFFFF8000  }
0x59: {  	[tilespmem:s21], [sflag:$0x3] =	stream.indirect.gather [hbm4b:s3+s12], $0x80, s26, s12, $0xb8;
	[tilespmem:$0x19900] =	vst v63  }
0x5a: {  	s26 =	sadd.s32 $0x580, s22  }
0x5b: {  	[tilespmem:s23], [sflag:$0x3] =	stream.indirect.gather [hbm4b:s3+s12], $0x80, s26, s12, $0xb8;
	[tilespmem:$0x19900] =	vst v63  }
0x5c: {  	_ = 	snop  }
0x5d: {  	[hbm4b:s10+s2] =	stream.linear.scatter [tilespmem:s13], [sflag:$0x4], $0x8000, $0x38;
	[tilespmem:$0x19900] =	vst v63  }
0x5e: {  	_ =	swait.ge [sflag:s24], $0x4000  }
0x5f: {  	[sflag:s24] =	ssyncset.done $0x0  }
0x60: {  	[sflag:s24] =	ssyncadd.s32 $0xFFFFC000  }
0x61: {  	_ =	swait.ge [sflag:s24], $0x4000  }
0x62: {  	[sflag:s24] =	ssyncset.done $0x0  }
0x63: {  	s26 =	sadd.s32 $0x1000, s10;
	[sflag:s24] =	ssyncadd.s32 $0xFFFFC000  }
0x64: {  	[hbm4b:s26+s2] =	stream.linear.scatter [tilespmem:s16], [sflag:$0x5], $0x8000, $0x38;
	[tilespmem:$0x19900] =	vst v63  }
0x65: {  	_ =	swait.ge [sflag:s25], $0x8000  }
0x66: {  	[sflag:s25] =	ssyncset.done $0x0  }
0x67: {  	s26 =	sadd.s32 $0x600, s22;
	[sflag:s25] =	ssyncadd.s32 $0xFFFF8000  }
0x68: {  	[tilespmem:s13], [sflag:$0x1] =	stream.indirect.gather [hbm4b:s3+s12], $0x80, s26, s12, $0xb8;
	[tilespmem:$0x19900] =	vst v63  }
0x69: {  	s26 =	sadd.s32 $0x680, s22  }
0x6a: {  	[tilespmem:s14], [sflag:$0x1] =	stream.indirect.gather [hbm4b:s3+s12], $0x80, s26, s12, $0xb8;
	[tilespmem:$0x19900] =	vst v63  }
0x6b: {  	_ =	swait.ge [sflag:s29], $0x4000  }
0x6c: {  	[sflag:s29] =	ssyncset.done $0x0  }
0x6d: {  	[sflag:s29] =	ssyncadd.s32 $0xFFFFC000  }
0x6e: {  	_ =	swait.ge [sflag:s29], $0x4000  }
0x6f: {  	p0 =	seq.s32 s17, $0x4800;
	[sflag:s29] =	ssyncset.done $0x0  }
.Ltmp2:
0x70: {  	s26 =	sadd.s32 $0x2000, s10;
	[sflag:s29] =	ssyncadd.s32 $0xFFFFC000;
	(pc) =	sbr.rel @p0 .LBB2_4-.Ltmp2, $4  }
0x71: {  	[hbm4b:s26+s2] =	stream.linear.scatter [tilespmem:s21], [sflag:$0x6], $0x8000, $0x38;
	[tilespmem:$0x19900] =	vst v63  }
0x72: {  	_ =	swait.ge [sflag:s30], $0x8000  }
0x73: {  	[sflag:s30] =	ssyncset.done $0x0  }
0x74: {  	[sflag:s30] =	ssyncadd.s32 $0xFFFF8000  }
.Ltmp3:
0x75: {  	(pc) =	sbr.rel .LBB2_2-.Ltmp3, $4  }
0x76: {  	s26 =	sadd.s32 $0x700, s22  }
0x77: {  	[tilespmem:s16], [sflag:$0x2] =	stream.indirect.gather [hbm4b:s3+s12], $0x80, s26, s12, $0xb8;
	[tilespmem:$0x19900] =	vst v63  }
0x78: {  	s10 =	sadd.s32 $0x3000, s10;
	s17 =	sadd.s32 $0xC00, s17;
	s26 =	sadd.s32 $0x780, s22  }
0x79: {  	[tilespmem:s18], [sflag:$0x2] =	stream.indirect.gather [hbm4b:s3+s12], $0x80, s26, s12, $0xb8;
	[tilespmem:$0x19900] =	vst v63  }
.LBB2_5:
0x7a: {  	_ =	sfence.sel $0x180000  }
0x7b: {  	[bflag:$0x0] =	sbarrier.arrive $0xFFFF  }
0x7c: {  	_ =	strace $0x90000047  }
0x7d: {  	s0 =	stileid.u32;
	[bflag:$0x2] =	sbarrier.arrive $0xFFFF  }
0x7e: {  	p0 =	sne.s32 s0, $0x0;
	s0 =	rddreg [dreg:$0x2]  }
0x7f: {  	s0 =	sadd.s32 @!p0 $0x100000, s0  }
0x80: {  	[sflag:s0] =	ssyncadd.tile.s32 @!p0 $0x1;
	_ =	shalt  }
.Lfunc_end2:
_tile_overlayer_lowered:
.L_overlay_start_2:
0x81: {  	(tag) =	ssettag $0x2  }
0x82: {  	s0 =	rddreg [dreg:$0x0];
	s2 =	stileid.u32  }
0x83: {  	s1 =	rddreg [dreg:$0x1];
	p0 =	sne.s32 s2, $0x0  }
0x84: {  	s3 =	rddreg [dreg:$0x2];
	[bflag:$0x3] =	sbarrier.arrive $0xFFFF;
	s2 =	simm.s32 @!p0 $0x1C07  }
0x85: {  	[timem:s3], [sflag:s2] =	dma.local @!p0 [hbm:s0], s1  }
0x86: {  	s0 =	simm.s32 @!p0 $0x7  }
0x87: {  	_ =	swait.ge @!p0 [sflag:s0], s1  }
0x88: {  	s1 =	ssub.s32 @!p0 $0x0, s1;
	[sflag:s0] =	ssyncset.done @!p0 $0x0  }
0x89: {  	[sflag:s0] =	ssyncadd.s32 @!p0 s1  }
0x8a: {  	[bflag:$0x3] =	sbarrier.arrive $0xFFFF  }
0x8b: {  	_ =	shalt  }

</sc_bundles>
